<compile_context>
chip_gen: v7x
topology: tpu7x:2x2x1
jax: 0.10.2.dev20260603
libtpu: 0.0.44.dev20260713+nightly
codegen_flags: <defaults>
</compile_context>

<pallas_src>
import functools

import jax
import jax.numpy as jnp
from jax import lax
from jax.experimental import pallas as pl
from jax.experimental.pallas import tpu as pltpu
from jax.experimental.pallas import tpu_sc as plsc

K = 8192
D = 32
NT = 8192
TB = 256
GRID = NT // TB

NC, NS, L = 2, 16, 16
NW = NC * NS
BPW = NT // NW
CH = 128
NCHUNK = BPW // CH


def _dist_body(x_ref, emb2_ref, e2_ref, idx_ref, loss_ref):
    i = pl.program_id(0)
    x = x_ref[...]
    x2 = jnp.sum(x * x, axis=1, keepdims=True)
    mm2 = jax.lax.dot_general(
        x, emb2_ref[...], (((1,), (1,)), ((), ())),
        preferred_element_type=jnp.float32)
    d = (x2 + e2_ref[...]) - mm2
    dmin = jnp.min(d, axis=1, keepdims=True)
    iota = jax.lax.broadcasted_iota(jnp.int32, (TB, K), 1)
    idx_ref[...] = jnp.min(jnp.where(d == dmin, iota, K), axis=1)

    @pl.when(i == 0)
    def _init():
        loss_ref[0, 0] = 0.0
    loss_ref[0, 0] += jnp.sum(dmin)
    @pl.when(i == GRID - 1)
    def _fini():
        loss_ref[0, 0] = 1.25 * (loss_ref[0, 0] / (NT * D))


def _encode(x, emb2, e2):
    return pl.pallas_call(
        _dist_body,
        grid=(GRID,),
        in_specs=[
            pl.BlockSpec((TB, D), lambda i: (i, 0)),
            pl.BlockSpec((K, D), lambda i: (0, 0)),
            pl.BlockSpec((1, K), lambda i: (0, 0)),
        ],
        out_specs=[
            pl.BlockSpec((TB,), lambda i: (i,)),
            pl.BlockSpec(memory_space=pltpu.SMEM),
        ],
        out_shape=[
            jax.ShapeDtypeStruct((NT,), jnp.int32),
            jax.ShapeDtypeStruct((1, 1), jnp.float32),
        ],
    )(x, emb2, e2)


def _sc_body(idx_hbm, emb_hbm, zeros_hbm, out_hbm, counts_hbm,
             idx_v, rows_v, ones_v, shared_counts, sem):
    cid = lax.axis_index("c")
    sid = lax.axis_index("s")
    wid = sid * NC + cid
    base = wid * BPW
    pltpu.sync_copy(idx_hbm.at[wid], idx_v)
    for t in range(CH // L):
        ones_v[pl.ds(L * t, L)] = jnp.ones((L,), jnp.float32)
    @pl.when(sid == 0)
    def _zero():
        pltpu.sync_copy(zeros_hbm, shared_counts)
    for j in range(NCHUNK):
        pltpu.async_copy(emb_hbm.at[idx_v.at[j]], rows_v.at[j], sem).wait()
        pltpu.sync_copy(rows_v.at[j], out_hbm.at[pl.ds(base + j * CH, CH)])
    plsc.subcore_barrier()
    for j in range(NCHUNK):
        pltpu.sync_copy(ones_v, shared_counts.at[idx_v.at[j]], add=True)
    plsc.subcore_barrier()
    @pl.when(sid == 0)
    def _writeback():
        pltpu.sync_copy(shared_counts, counts_hbm.at[cid])


_sc_gather_hist = functools.partial(
    pl.kernel,
    mesh=plsc.VectorSubcoreMesh(core_axis_name="c", subcore_axis_name="s"),
    compiler_params=pltpu.CompilerParams(use_tc_tiling_on_sc=False),
    out_type=[
        jax.ShapeDtypeStruct((NT, D), jnp.float32),
        jax.ShapeDtypeStruct((NC, K), jnp.float32),
    ],
    scratch_types=[
        pltpu.VMEM((NCHUNK, CH), jnp.int32),
        pltpu.VMEM((NCHUNK, CH, D), jnp.float32),
        pltpu.VMEM((CH,), jnp.float32),
        pltpu.VMEM_SHARED((K,), jnp.float32),
        pltpu.SemaphoreType.DMA,
    ],
)(_sc_body)


def _perp_body(counts_ref, perp_ref):
    counts = counts_ref[0, :] + counts_ref[1, :]
    p = counts * (1.0 / NT)
    perp_ref[0, 0] = jnp.exp(-jnp.sum(p * jnp.log(p + 1e-10)))


def _perplexity(counts2):
    return pl.pallas_call(
        _perp_body,
        in_specs=[pl.BlockSpec((NC, K), lambda: (0, 0))],
        out_specs=pl.BlockSpec(memory_space=pltpu.SMEM),
        out_shape=jax.ShapeDtypeStruct((1, 1), jnp.float32),
    )(counts2)


def kernel(inputs, embedding):
    n, c, h, w = inputs.shape
    x = jnp.transpose(inputs, (0, 2, 3, 1)).reshape(NT, D)
    emb2 = embedding + embedding
    e2 = jnp.sum(embedding ** 2, axis=1)[None, :]
    idx, loss = _encode(x, emb2, e2)
    q, counts2 = _sc_gather_hist(idx.reshape(NW, NCHUNK, CH), embedding,
                                 jnp.zeros((K,), jnp.float32))
    perp = _perplexity(counts2)
    quantized_st = jnp.transpose(q.reshape(n, h, w, c), (0, 3, 1, 2))
    return (loss[0, 0], quantized_st, perp[0, 0], idx.reshape(n, h, w))

# --- scband reference (transcript-rebuilt; emitter-appended) ---
"""Pipeline reference for scband-vector-quantizer-67413806678466 (READ-ONLY COPY).

The authoritative reference and input builder live on the scoring server;
editing this copy changes nothing except your own understanding.
"""

import jax, jax.numpy as jnp
import numpy as np

NUM_EMBEDDINGS = 8192
EMBEDDING_DIM = 32
COMMITMENT_COST = 0.25


def setup_inputs(seed: int = 0) -> dict:
    key = jax.random.key(seed)
    k1, k2 = jax.random.split(key)
    inputs = jax.random.normal(k1, (8, 32, 32, 32), dtype=jnp.float32)
    # nn.Embedding weight initialized uniform(-1/K, 1/K)
    embedding = jax.random.uniform(
        k2, (NUM_EMBEDDINGS, EMBEDDING_DIM), dtype=jnp.float32,
        minval=-1.0 / NUM_EMBEDDINGS, maxval=1.0 / NUM_EMBEDDINGS)
    return {"inputs": inputs, "embedding": embedding}


def reference(inputs, embedding):
    # NCHW -> NHWC
    x = jnp.transpose(inputs, (0, 2, 3, 1))
    input_shape = x.shape
    batch_size, height, width, channels = input_shape
    flat_input = x.reshape(-1, EMBEDDING_DIM)
    # squared L2 distances to all codebook entries
    distances = (jnp.sum(flat_input ** 2, axis=1, keepdims=True)
                 + jnp.sum(embedding ** 2, axis=1)
                 - 2.0 * jnp.matmul(flat_input, embedding.T))
    encoding_indices = jnp.argmin(distances, axis=1)
    encodings = jax.nn.one_hot(encoding_indices, NUM_EMBEDDINGS, dtype=flat_input.dtype)
    quantized = jnp.matmul(encodings, embedding).reshape(input_shape)
    e_latent_loss = jnp.mean((jax.lax.stop_gradient(quantized) - x) ** 2)
    q_latent_loss = jnp.mean((quantized - jax.lax.stop_gradient(x)) ** 2)
    loss = q_latent_loss + COMMITMENT_COST * e_latent_loss
    # straight-through estimator
    quantized_st = x + jax.lax.stop_gradient(quantized - x)
    avg_probs = jnp.mean(encodings, axis=0)
    perplexity = jnp.exp(-jnp.sum(avg_probs * jnp.log(avg_probs + 1e-10)))
    encoding_indices_out = encoding_indices.reshape(batch_size, height, width)
    return (loss,
            jnp.transpose(quantized_st, (0, 3, 1, 2)),
            perplexity,
            encoding_indices_out)

if __name__ == "__main__":
    import jax
    _d = setup_inputs()
    print(jax.jit(kernel)(*tuple(_d.values())))

</pallas_src>

<mosaic_0001>
#map = affine_map<(d0, d1) -> (0, 0, 0)>
#map1 = affine_map<(d0, d1) -> (0, 0)>
#map2 = affine_map<(d0, d1) -> (0)>
module attributes {stable_mosaic.version = 14 : i64} {
  func.func @_sc_body(%arg0: i32, %arg1: i32, %arg2: memref<32x2x128xi32, #tpu.memory_space<hbm>>, %arg3: memref<8192x32xf32, #tpu.memory_space<hbm>>, %arg4: memref<8192xf32, #tpu.memory_space<hbm>>, %arg5: memref<8192x32xf32, #tpu.memory_space<hbm>>, %arg6: memref<2x8192xf32, #tpu.memory_space<hbm>>, %arg7: memref<2x128xi32, #tpu.memory_space<vmem>>, %arg8: memref<2x128x32xf32, #tpu.memory_space<vmem>>, %arg9: memref<128xf32, #tpu.memory_space<vmem>>, %arg10: memref<8192xf32, #tpu.memory_space<vmem_shared>>, %arg11: memref<!tpu.dma_semaphore, #tpu.memory_space<semaphore_mem>>) attributes {dimension_semantics = [#tpu.dimension_semantics<core_parallel>, #tpu.dimension_semantics<subcore_parallel>], iteration_bounds = array<i64: 2, 16>, scalar_prefetch = 0 : i64, scratch_operands = 5 : i64, tpu.core_type = #tpu.core_type<sc_vector_subcore>, window_params = [{transform_indices = #map}, {transform_indices = #map1}, {transform_indices = #map2}, {transform_indices = #map1}, {transform_indices = #map1}]} {
    %mul3A = arith.constant 2 : i32
    %mul3A_0 = arith.muli %arg1, %mul3A : i32
    %add3A = arith.addi %mul3A_0, %arg0 : i32
    %mul3A_1 = arith.constant 256 : i32
    %mul3A_2 = arith.muli %add3A, %mul3A_1 : i32
    "tpu.region"() ({
      %run_scoped3A_110 = tpu.sem_alloc : memref<!tpu.dma_semaphore, #tpu.memory_space<semaphore_mem>>
      %dma_start3A_111 = arith.constant 0 : i32
      %dma_start3A_112 = arith.constant 0 : i32
      %dma_start3A_113 = tpu.memref_slice %arg2[%add3A, %dma_start3A_111, %dma_start3A_112] : memref<32x2x128xi32, #tpu.memory_space<hbm>> -> memref<1x2x128xi32, #tpu.memory_space<hbm>>
      %dma_start3A_114 = tpu.memref_squeeze %dma_start3A_113 : memref<1x2x128xi32, #tpu.memory_space<hbm>> -> memref<2x128xi32, #tpu.memory_space<hbm>>
      %dma_start3A_115 = arith.constant 0 : i32
      %dma_start3A_116 = arith.constant 0 : i32
      %dma_start3A_117 = tpu.memref_slice %arg2[%add3A, %dma_start3A_115, %dma_start3A_116] : memref<32x2x128xi32, #tpu.memory_space<hbm>> -> memref<1x2x128xi32, #tpu.memory_space<hbm>>
      %dma_start3A_118 = tpu.memref_squeeze %dma_start3A_117 : memref<1x2x128xi32, #tpu.memory_space<hbm>> -> memref<2x128xi32, #tpu.memory_space<hbm>>
      tpu.enqueue_dma source(%dma_start3A_118 : memref<2x128xi32, #tpu.memory_space<hbm>>) target(%arg7 : memref<2x128xi32, #tpu.memory_space<vmem>>) target_semaphore(%run_scoped3A_110 : memref<!tpu.dma_semaphore, #tpu.memory_space<semaphore_mem>>)
      %dma_wait3A_119 = arith.constant 0 : i32
      %dma_wait3A_120 = arith.constant 0 : i32
      %dma_wait3A_121 = tpu.memref_slice %arg2[%add3A, %dma_wait3A_119, %dma_wait3A_120] : memref<32x2x128xi32, #tpu.memory_space<hbm>> -> memref<1x2x128xi32, #tpu.memory_space<hbm>>
      %dma_wait3A_122 = tpu.memref_squeeze %dma_wait3A_121 : memref<1x2x128xi32, #tpu.memory_space<hbm>> -> memref<2x128xi32, #tpu.memory_space<hbm>>
      %dma_wait3A_123 = arith.constant 0 : i32
      %dma_wait3A_124 = arith.constant 0 : i32
      %dma_wait3A_125 = tpu.memref_slice %arg2[%add3A, %dma_wait3A_123, %dma_wait3A_124] : memref<32x2x128xi32, #tpu.memory_space<hbm>> -> memref<1x2x128xi32, #tpu.memory_space<hbm>>
      %dma_wait3A_126 = tpu.memref_squeeze %dma_wait3A_125 : memref<1x2x128xi32, #tpu.memory_space<hbm>> -> memref<2x128xi32, #tpu.memory_space<hbm>>
      tpu.wait_dma2 semaphore(%run_scoped3A_110 : memref<!tpu.dma_semaphore, #tpu.memory_space<semaphore_mem>>) src(%dma_wait3A_126 : memref<2x128xi32, #tpu.memory_space<hbm>>) dst(%arg7 : memref<2x128xi32, #tpu.memory_space<vmem>>)
      tpu.yield
    }) : () -> ()
    %broadcast_in_dim3A = arith.constant 1.000000e+00 : f32
    %broadcast_in_dim3A_3 = vector.broadcast %broadcast_in_dim3A : f32 to vector<16xf32>
    %swap3A = arith.constant 0 : index
    %swap3A_4 = tpu.vector_load %arg9[%swap3A] {strides = array<i32>} : memref<128xf32, #tpu.memory_space<vmem>>, vector<16xf32>,
    %swap3A_5 = vector.shape_cast %swap3A_4 : vector<16xf32> to vector<16xf32>
    %swap3A_6 = vector.shape_cast %broadcast_in_dim3A_3 : vector<16xf32> to vector<16xf32>
    tpu.vector_store %arg9[%swap3A], %swap3A_6 {strides = array<i32>} : memref<128xf32, #tpu.memory_space<vmem>>, vector<16xf32>,
    %broadcast_in_dim3A_7 = arith.constant 1.000000e+00 : f32
    %broadcast_in_dim3A_8 = vector.broadcast %broadcast_in_dim3A_7 : f32 to vector<16xf32>
    %swap3A_9 = arith.constant 16 : index
    %swap3A_10 = tpu.vector_load %arg9[%swap3A_9] {strides = array<i32>} : memref<128xf32, #tpu.memory_space<vmem>>, vector<16xf32>,
    %swap3A_11 = vector.shape_cast %swap3A_10 : vector<16xf32> to vector<16xf32>
    %swap3A_12 = vector.shape_cast %broadcast_in_dim3A_8 : vector<16xf32> to vector<16xf32>
    tpu.vector_store %arg9[%swap3A_9], %swap3A_12 {strides = array<i32>} : memref<128xf32, #tpu.memory_space<vmem>>, vector<16xf32>,
    %broadcast_in_dim3A_13 = arith.constant 1.000000e+00 : f32
    %broadcast_in_dim3A_14 = vector.broadcast %broadcast_in_dim3A_13 : f32 to vector<16xf32>
    %swap3A_15 = arith.constant 32 : index
    %swap3A_16 = tpu.vector_load %arg9[%swap3A_15] {strides = array<i32>} : memref<128xf32, #tpu.memory_space<vmem>>, vector<16xf32>,
    %swap3A_17 = vector.shape_cast %swap3A_16 : vector<16xf32> to vector<16xf32>
    %swap3A_18 = vector.shape_cast %broadcast_in_dim3A_14 : vector<16xf32> to vector<16xf32>
    tpu.vector_store %arg9[%swap3A_15], %swap3A_18 {strides = array<i32>} : memref<128xf32, #tpu.memory_space<vmem>>, vector<16xf32>,
    %broadcast_in_dim3A_19 = arith.constant 1.000000e+00 : f32
    %broadcast_in_dim3A_20 = vector.broadcast %broadcast_in_dim3A_19 : f32 to vector<16xf32>
    %swap3A_21 = arith.constant 48 : index
    %swap3A_22 = tpu.vector_load %arg9[%swap3A_21] {strides = array<i32>} : memref<128xf32, #tpu.memory_space<vmem>>, vector<16xf32>,
    %swap3A_23 = vector.shape_cast %swap3A_22 : vector<16xf32> to vector<16xf32>
    %swap3A_24 = vector.shape_cast %broadcast_in_dim3A_20 : vector<16xf32> to vector<16xf32>
    tpu.vector_store %arg9[%swap3A_21], %swap3A_24 {strides = array<i32>} : memref<128xf32, #tpu.memory_space<vmem>>, vector<16xf32>,
    %broadcast_in_dim3A_25 = arith.constant 1.000000e+00 : f32
    %broadcast_in_dim3A_26 = vector.broadcast %broadcast_in_dim3A_25 : f32 to vector<16xf32>
    %swap3A_27 = arith.constant 64 : index
    %swap3A_28 = tpu.vector_load %arg9[%swap3A_27] {strides = array<i32>} : memref<128xf32, #tpu.memory_space<vmem>>, vector<16xf32>,
    %swap3A_29 = vector.shape_cast %swap3A_28 : vector<16xf32> to vector<16xf32>
    %swap3A_30 = vector.shape_cast %broadcast_in_dim3A_26 : vector<16xf32> to vector<16xf32>
    tpu.vector_store %arg9[%swap3A_27], %swap3A_30 {strides = array<i32>} : memref<128xf32, #tpu.memory_space<vmem>>, vector<16xf32>,
    %broadcast_in_dim3A_31 = arith.constant 1.000000e+00 : f32
    %broadcast_in_dim3A_32 = vector.broadcast %broadcast_in_dim3A_31 : f32 to vector<16xf32>
    %swap3A_33 = arith.constant 80 : index
    %swap3A_34 = tpu.vector_load %arg9[%swap3A_33] {strides = array<i32>} : memref<128xf32, #tpu.memory_space<vmem>>, vector<16xf32>,
    %swap3A_35 = vector.shape_cast %swap3A_34 : vector<16xf32> to vector<16xf32>
    %swap3A_36 = vector.shape_cast %broadcast_in_dim3A_32 : vector<16xf32> to vector<16xf32>
    tpu.vector_store %arg9[%swap3A_33], %swap3A_36 {strides = array<i32>} : memref<128xf32, #tpu.memory_space<vmem>>, vector<16xf32>,
    %broadcast_in_dim3A_37 = arith.constant 1.000000e+00 : f32
    %broadcast_in_dim3A_38 = vector.broadcast %broadcast_in_dim3A_37 : f32 to vector<16xf32>
    %swap3A_39 = arith.constant 96 : index
    %swap3A_40 = tpu.vector_load %arg9[%swap3A_39] {strides = array<i32>} : memref<128xf32, #tpu.memory_space<vmem>>, vector<16xf32>,
    %swap3A_41 = vector.shape_cast %swap3A_40 : vector<16xf32> to vector<16xf32>
    %swap3A_42 = vector.shape_cast %broadcast_in_dim3A_38 : vector<16xf32> to vector<16xf32>
    tpu.vector_store %arg9[%swap3A_39], %swap3A_42 {strides = array<i32>} : memref<128xf32, #tpu.memory_space<vmem>>, vector<16xf32>,
    %broadcast_in_dim3A_43 = arith.constant 1.000000e+00 : f32
    %broadcast_in_dim3A_44 = vector.broadcast %broadcast_in_dim3A_43 : f32 to vector<16xf32>
    %swap3A_45 = arith.constant 112 : index
    %swap3A_46 = tpu.vector_load %arg9[%swap3A_45] {strides = array<i32>} : memref<128xf32, #tpu.memory_space<vmem>>, vector<16xf32>,
    %swap3A_47 = vector.shape_cast %swap3A_46 : vector<16xf32> to vector<16xf32>
    %swap3A_48 = vector.shape_cast %broadcast_in_dim3A_44 : vector<16xf32> to vector<16xf32>
    tpu.vector_store %arg9[%swap3A_45], %swap3A_48 {strides = array<i32>} : memref<128xf32, #tpu.memory_space<vmem>>, vector<16xf32>,
    %eq3A = arith.constant 0 : i32
    %eq3A_49 = arith.cmpi eq, %arg1, %eq3A : i32
    %convert_element_type3A = arith.extui %eq3A_49 : i1 to i32
    %cond3A = arith.constant 0 : i32
    %cond3A_50 = arith.cmpi ne, %convert_element_type3A, %cond3A : i32
    scf.if %cond3A_50 {
      "tpu.region"() ({
        %run_scoped3A_110 = tpu.sem_alloc : memref<!tpu.dma_semaphore, #tpu.memory_space<semaphore_mem>>
        tpu.enqueue_dma source(%arg4 : memref<8192xf32, #tpu.memory_space<hbm>>) target(%arg10 : memref<8192xf32, #tpu.memory_space<vmem_shared>>) target_semaphore(%run_scoped3A_110 : memref<!tpu.dma_semaphore, #tpu.memory_space<semaphore_mem>>)
        tpu.wait_dma2 semaphore(%run_scoped3A_110 : memref<!tpu.dma_semaphore, #tpu.memory_space<semaphore_mem>>) src(%arg4 : memref<8192xf32, #tpu.memory_space<hbm>>) dst(%arg10 : memref<8192xf32, #tpu.memory_space<vmem_shared>>)
        tpu.yield
      }) : () -> ()
    } else {
    }
    %dma_start3A = arith.constant 0 : i32
    %dma_start3A_51 = arith.constant 0 : i32
    %dma_start3A_52 = arith.constant 0 : i32
    %dma_start3A_53 = arith.constant 0 : i32
    %dma_start3A_54 = tpu.memref_slice %arg8[%dma_start3A_51, %dma_start3A_52, %dma_start3A_53] : memref<2x128x32xf32, #tpu.memory_space<vmem>> -> memref<1x128x32xf32, #tpu.memory_space<vmem>>
    %dma_start3A_55 = tpu.memref_squeeze %dma_start3A_54 : memref<1x128x32xf32, #tpu.memory_space<vmem>> -> memref<128x32xf32, #tpu.memory_space<vmem>>
    %dma_start3A_56 = arith.constant 0 : i32
    %dma_start3A_57 = tpu.memref_slice %arg7[%dma_start3A, %dma_start3A_56] : memref<2x128xi32, #tpu.memory_space<vmem>> -> memref<1x128xi32, #tpu.memory_space<vmem>>
    %dma_start3A_58 = tpu.memref_squeeze %dma_start3A_57 : memref<1x128xi32, #tpu.memory_space<vmem>> -> memref<128xi32, #tpu.memory_space<vmem>>
    %dma_start3A_59 = arith.constant 0 : i32
    %dma_start3A_60 = arith.constant 0 : i32
    %dma_start3A_61 = tpu.memref_slice %arg3[%dma_start3A_59, %dma_start3A_60] : memref<8192x32xf32, #tpu.memory_space<hbm>> -> memref<8192x32xf32, #tpu.memory_space<hbm>>
    tpu.enqueue_indirect_dma source(%dma_start3A_61 : memref<8192x32xf32, #tpu.memory_space<hbm>>) target(%dma_start3A_55 : memref<128x32xf32, #tpu.memory_space<vmem>>) offsets(%dma_start3A_58 : memref<128xi32, #tpu.memory_space<vmem>>) semaphore(%arg11 : memref<!tpu.dma_semaphore, #tpu.memory_space<semaphore_mem>>)
    %dma_wait3A = arith.constant 0 : i32
    %dma_wait3A_62 = arith.constant 0 : i32
    %dma_wait3A_63 = arith.constant 0 : i32
    %dma_wait3A_64 = arith.constant 0 : i32
    %dma_wait3A_65 = tpu.memref_slice %arg8[%dma_wait3A_62, %dma_wait3A_63, %dma_wait3A_64] : memref<2x128x32xf32, #tpu.memory_space<vmem>> -> memref<1x128x32xf32, #tpu.memory_space<vmem>>
    %dma_wait3A_66 = tpu.memref_squeeze %dma_wait3A_65 : memref<1x128x32xf32, #tpu.memory_space<vmem>> -> memref<128x32xf32, #tpu.memory_space<vmem>>
    %dma_wait3A_67 = arith.constant 0 : i32
    %dma_wait3A_68 = tpu.memref_slice %arg7[%dma_wait3A, %dma_wait3A_67] : memref<2x128xi32, #tpu.memory_space<vmem>> -> memref<1x128xi32, #tpu.memory_space<vmem>>
    %dma_wait3A_69 = tpu.memref_squeeze %dma_wait3A_68 : memref<1x128xi32, #tpu.memory_space<vmem>> -> memref<128xi32, #tpu.memory_space<vmem>>
    %dma_wait3A_70 = arith.constant 0 : i32
    %dma_wait3A_71 = arith.constant 0 : i32
    %dma_wait3A_72 = tpu.memref_slice %arg3[%dma_wait3A_70, %dma_wait3A_71] : memref<8192x32xf32, #tpu.memory_space<hbm>> -> memref<8192x32xf32, #tpu.memory_space<hbm>>
    tpu.wait_indirect_dma semaphore(%arg11 : memref<!tpu.dma_semaphore, #tpu.memory_space<semaphore_mem>>) src(%dma_wait3A_72 : memref<8192x32xf32, #tpu.memory_space<hbm>>) dst(%dma_wait3A_66 : memref<128x32xf32, #tpu.memory_space<vmem>>)
    %add3A_73 = arith.constant 0 : i32
    %add3A_74 = arith.addi %mul3A_2, %add3A_73 : i32
    %run_scoped3A = arith.constant 0 : i32
    "tpu.region"() ({
      %run_scoped3A_110 = tpu.sem_alloc : memref<!tpu.dma_semaphore, #tpu.memory_space<semaphore_mem>>
      %dma_start3A_111 = arith.constant 0 : i32
      %dma_start3A_112 = arith.constant 0 : i32
      %dma_start3A_113 = tpu.memref_slice %arg8[%run_scoped3A, %dma_start3A_111, %dma_start3A_112] : memref<2x128x32xf32, #tpu.memory_space<vmem>> -> memref<1x128x32xf32, #tpu.memory_space<vmem>>
      %dma_start3A_114 = tpu.memref_squeeze %dma_start3A_113 : memref<1x128x32xf32, #tpu.memory_space<vmem>> -> memref<128x32xf32, #tpu.memory_space<vmem>>
      %dma_start3A_115 = arith.constant 0 : i32
      %dma_start3A_116 = tpu.memref_slice %arg5[%add3A_74, %dma_start3A_115] : memref<8192x32xf32, #tpu.memory_space<hbm>> -> memref<128x32xf32, #tpu.memory_space<hbm>>
      %dma_start3A_117 = arith.constant 0 : i32
      %dma_start3A_118 = tpu.memref_slice %arg5[%add3A_74, %dma_start3A_117] : memref<8192x32xf32, #tpu.memory_space<hbm>> -> memref<128x32xf32, #tpu.memory_space<hbm>>
      %dma_start3A_119 = arith.constant 0 : i32
      %dma_start3A_120 = arith.constant 0 : i32
      %dma_start3A_121 = tpu.memref_slice %arg8[%run_scoped3A, %dma_start3A_119, %dma_start3A_120] : memref<2x128x32xf32, #tpu.memory_space<vmem>> -> memref<1x128x32xf32, #tpu.memory_space<vmem>>
      %dma_start3A_122 = tpu.memref_squeeze %dma_start3A_121 : memref<1x128x32xf32, #tpu.memory_space<vmem>> -> memref<128x32xf32, #tpu.memory_space<vmem>>
      tpu.enqueue_dma source(%dma_start3A_122 : memref<128x32xf32, #tpu.memory_space<vmem>>) target(%dma_start3A_118 : memref<128x32xf32, #tpu.memory_space<hbm>>) target_semaphore(%run_scoped3A_110 : memref<!tpu.dma_semaphore, #tpu.memory_space<semaphore_mem>>)
      %dma_wait3A_123 = arith.constant 0 : i32
      %dma_wait3A_124 = arith.constant 0 : i32
      %dma_wait3A_125 = tpu.memref_slice %arg8[%run_scoped3A, %dma_wait3A_123, %dma_wait3A_124] : memref<2x128x32xf32, #tpu.memory_space<vmem>> -> memref<1x128x32xf32, #tpu.memory_space<vmem>>
      %dma_wait3A_126 = tpu.memref_squeeze %dma_wait3A_125 : memref<1x128x32xf32, #tpu.memory_space<vmem>> -> memref<128x32xf32, #tpu.memory_space<vmem>>
      %dma_wait3A_127 = arith.constant 0 : i32
      %dma_wait3A_128 = tpu.memref_slice %arg5[%add3A_74, %dma_wait3A_127] : memref<8192x32xf32, #tpu.memory_space<hbm>> -> memref<128x32xf32, #tpu.memory_space<hbm>>
      %dma_wait3A_129 = arith.constant 0 : i32
      %dma_wait3A_130 = tpu.memref_slice %arg5[%add3A_74, %dma_wait3A_129] : memref<8192x32xf32, #tpu.memory_space<hbm>> -> memref<128x32xf32, #tpu.memory_space<hbm>>
      %dma_wait3A_131 = arith.constant 0 : i32
      %dma_wait3A_132 = arith.constant 0 : i32
      %dma_wait3A_133 = tpu.memref_slice %arg8[%run_scoped3A, %dma_wait3A_131, %dma_wait3A_132] : memref<2x128x32xf32, #tpu.memory_space<vmem>> -> memref<1x128x32xf32, #tpu.memory_space<vmem>>
      %dma_wait3A_134 = tpu.memref_squeeze %dma_wait3A_133 : memref<1x128x32xf32, #tpu.memory_space<vmem>> -> memref<128x32xf32, #tpu.memory_space<vmem>>
      tpu.wait_dma2 semaphore(%run_scoped3A_110 : memref<!tpu.dma_semaphore, #tpu.memory_space<semaphore_mem>>) src(%dma_wait3A_134 : memref<128x32xf32, #tpu.memory_space<vmem>>) dst(%dma_wait3A_130 : memref<128x32xf32, #tpu.memory_space<hbm>>)
      tpu.yield
    }) : () -> ()
    %dma_start3A_75 = arith.constant 1 : i32
    %dma_start3A_76 = arith.constant 1 : i32
    %dma_start3A_77 = arith.constant 0 : i32
    %dma_start3A_78 = arith.constant 0 : i32
    %dma_start3A_79 = tpu.memref_slice %arg8[%dma_start3A_76, %dma_start3A_77, %dma_start3A_78] : memref<2x128x32xf32, #tpu.memory_space<vmem>> -> memref<1x128x32xf32, #tpu.memory_space<vmem>>
    %dma_start3A_80 = tpu.memref_squeeze %dma_start3A_79 : memref<1x128x32xf32, #tpu.memory_space<vmem>> -> memref<128x32xf32, #tpu.memory_space<vmem>>
    %dma_start3A_81 = arith.constant 0 : i32
    %dma_start3A_82 = tpu.memref_slice %arg7[%dma_start3A_75, %dma_start3A_81] : memref<2x128xi32, #tpu.memory_space<vmem>> -> memref<1x128xi32, #tpu.memory_space<vmem>>
    %dma_start3A_83 = tpu.memref_squeeze %dma_start3A_82 : memref<1x128xi32, #tpu.memory_space<vmem>> -> memref<128xi32, #tpu.memory_space<vmem>>
    %dma_start3A_84 = arith.constant 0 : i32
    %dma_start3A_85 = arith.constant 0 : i32
    %dma_start3A_86 = tpu.memref_slice %arg3[%dma_start3A_84, %dma_start3A_85] : memref<8192x32xf32, #tpu.memory_space<hbm>> -> memref<8192x32xf32, #tpu.memory_space<hbm>>
    tpu.enqueue_indirect_dma source(%dma_start3A_86 : memref<8192x32xf32, #tpu.memory_space<hbm>>) target(%dma_start3A_80 : memref<128x32xf32, #tpu.memory_space<vmem>>) offsets(%dma_start3A_83 : memref<128xi32, #tpu.memory_space<vmem>>) semaphore(%arg11 : memref<!tpu.dma_semaphore, #tpu.memory_space<semaphore_mem>>)
    %dma_wait3A_87 = arith.constant 1 : i32
    %dma_wait3A_88 = arith.constant 1 : i32
    %dma_wait3A_89 = arith.constant 0 : i32
    %dma_wait3A_90 = arith.constant 0 : i32
    %dma_wait3A_91 = tpu.memref_slice %arg8[%dma_wait3A_88, %dma_wait3A_89, %dma_wait3A_90] : memref<2x128x32xf32, #tpu.memory_space<vmem>> -> memref<1x128x32xf32, #tpu.memory_space<vmem>>
    %dma_wait3A_92 = tpu.memref_squeeze %dma_wait3A_91 : memref<1x128x32xf32, #tpu.memory_space<vmem>> -> memref<128x32xf32, #tpu.memory_space<vmem>>
    %dma_wait3A_93 = arith.constant 0 : i32
    %dma_wait3A_94 = tpu.memref_slice %arg7[%dma_wait3A_87, %dma_wait3A_93] : memref<2x128xi32, #tpu.memory_space<vmem>> -> memref<1x128xi32, #tpu.memory_space<vmem>>
    %dma_wait3A_95 = tpu.memref_squeeze %dma_wait3A_94 : memref<1x128xi32, #tpu.memory_space<vmem>> -> memref<128xi32, #tpu.memory_space<vmem>>
    %dma_wait3A_96 = arith.constant 0 : i32
    %dma_wait3A_97 = arith.constant 0 : i32
    %dma_wait3A_98 = tpu.memref_slice %arg3[%dma_wait3A_96, %dma_wait3A_97] : memref<8192x32xf32, #tpu.memory_space<hbm>> -> memref<8192x32xf32, #tpu.memory_space<hbm>>
    tpu.wait_indirect_dma semaphore(%arg11 : memref<!tpu.dma_semaphore, #tpu.memory_space<semaphore_mem>>) src(%dma_wait3A_98 : memref<8192x32xf32, #tpu.memory_space<hbm>>) dst(%dma_wait3A_92 : memref<128x32xf32, #tpu.memory_space<vmem>>)
    %add3A_99 = arith.constant 128 : i32
    %add3A_100 = arith.addi %mul3A_2, %add3A_99 : i32
    %run_scoped3A_101 = arith.constant 1 : i32
    "tpu.region"() ({
      %run_scoped3A_110 = tpu.sem_alloc : memref<!tpu.dma_semaphore, #tpu.memory_space<semaphore_mem>>
      %dma_start3A_111 = arith.constant 0 : i32
      %dma_start3A_112 = arith.constant 0 : i32
      %dma_start3A_113 = tpu.memref_slice %arg8[%run_scoped3A_101, %dma_start3A_111, %dma_start3A_112] : memref<2x128x32xf32, #tpu.memory_space<vmem>> -> memref<1x128x32xf32, #tpu.memory_space<vmem>>
      %dma_start3A_114 = tpu.memref_squeeze %dma_start3A_113 : memref<1x128x32xf32, #tpu.memory_space<vmem>> -> memref<128x32xf32, #tpu.memory_space<vmem>>
      %dma_start3A_115 = arith.constant 0 : i32
      %dma_start3A_116 = tpu.memref_slice %arg5[%add3A_100, %dma_start3A_115] : memref<8192x32xf32, #tpu.memory_space<hbm>> -> memref<128x32xf32, #tpu.memory_space<hbm>>
      %dma_start3A_117 = arith.constant 0 : i32
      %dma_start3A_118 = tpu.memref_slice %arg5[%add3A_100, %dma_start3A_117] : memref<8192x32xf32, #tpu.memory_space<hbm>> -> memref<128x32xf32, #tpu.memory_space<hbm>>
      %dma_start3A_119 = arith.constant 0 : i32
      %dma_start3A_120 = arith.constant 0 : i32
      %dma_start3A_121 = tpu.memref_slice %arg8[%run_scoped3A_101, %dma_start3A_119, %dma_start3A_120] : memref<2x128x32xf32, #tpu.memory_space<vmem>> -> memref<1x128x32xf32, #tpu.memory_space<vmem>>
      %dma_start3A_122 = tpu.memref_squeeze %dma_start3A_121 : memref<1x128x32xf32, #tpu.memory_space<vmem>> -> memref<128x32xf32, #tpu.memory_space<vmem>>
      tpu.enqueue_dma source(%dma_start3A_122 : memref<128x32xf32, #tpu.memory_space<vmem>>) target(%dma_start3A_118 : memref<128x32xf32, #tpu.memory_space<hbm>>) target_semaphore(%run_scoped3A_110 : memref<!tpu.dma_semaphore, #tpu.memory_space<semaphore_mem>>)
      %dma_wait3A_123 = arith.constant 0 : i32
      %dma_wait3A_124 = arith.constant 0 : i32
      %dma_wait3A_125 = tpu.memref_slice %arg8[%run_scoped3A_101, %dma_wait3A_123, %dma_wait3A_124] : memref<2x128x32xf32, #tpu.memory_space<vmem>> -> memref<1x128x32xf32, #tpu.memory_space<vmem>>
      %dma_wait3A_126 = tpu.memref_squeeze %dma_wait3A_125 : memref<1x128x32xf32, #tpu.memory_space<vmem>> -> memref<128x32xf32, #tpu.memory_space<vmem>>
      %dma_wait3A_127 = arith.constant 0 : i32
      %dma_wait3A_128 = tpu.memref_slice %arg5[%add3A_100, %dma_wait3A_127] : memref<8192x32xf32, #tpu.memory_space<hbm>> -> memref<128x32xf32, #tpu.memory_space<hbm>>
      %dma_wait3A_129 = arith.constant 0 : i32
      %dma_wait3A_130 = tpu.memref_slice %arg5[%add3A_100, %dma_wait3A_129] : memref<8192x32xf32, #tpu.memory_space<hbm>> -> memref<128x32xf32, #tpu.memory_space<hbm>>
      %dma_wait3A_131 = arith.constant 0 : i32
      %dma_wait3A_132 = arith.constant 0 : i32
      %dma_wait3A_133 = tpu.memref_slice %arg8[%run_scoped3A_101, %dma_wait3A_131, %dma_wait3A_132] : memref<2x128x32xf32, #tpu.memory_space<vmem>> -> memref<1x128x32xf32, #tpu.memory_space<vmem>>
      %dma_wait3A_134 = tpu.memref_squeeze %dma_wait3A_133 : memref<1x128x32xf32, #tpu.memory_space<vmem>> -> memref<128x32xf32, #tpu.memory_space<vmem>>
      tpu.wait_dma2 semaphore(%run_scoped3A_110 : memref<!tpu.dma_semaphore, #tpu.memory_space<semaphore_mem>>) src(%dma_wait3A_134 : memref<128x32xf32, #tpu.memory_space<vmem>>) dst(%dma_wait3A_130 : memref<128x32xf32, #tpu.memory_space<hbm>>)
      tpu.yield
    }) : () -> ()
    %barrier3A = arith.constant 0 : index
    tpu.barrier barrier_id(%barrier3A)
    %run_scoped3A_102 = arith.constant 0 : i32
    "tpu.region"() ({
      %run_scoped3A_110 = tpu.sem_alloc : memref<!tpu.dma_semaphore, #tpu.memory_space<semaphore_mem>>
      %dma_start3A_111 = arith.constant 0 : i32
      %dma_start3A_112 = tpu.memref_slice %arg7[%run_scoped3A_102, %dma_start3A_111] : memref<2x128xi32, #tpu.memory_space<vmem>> -> memref<1x128xi32, #tpu.memory_space<vmem>>
      %dma_start3A_113 = tpu.memref_squeeze %dma_start3A_112 : memref<1x128xi32, #tpu.memory_space<vmem>> -> memref<128xi32, #tpu.memory_space<vmem>>
      %dma_start3A_114 = arith.constant 0 : i32
      %dma_start3A_115 = tpu.memref_slice %arg10[%dma_start3A_114] : memref<8192xf32, #tpu.memory_space<vmem_shared>> -> memref<8192xf32, #tpu.memory_space<vmem_shared>>
      tpu.enqueue_indirect_dma source(%arg9 : memref<128xf32, #tpu.memory_space<vmem>>) target(%dma_start3A_115 : memref<8192xf32, #tpu.memory_space<vmem_shared>>) offsets(%dma_start3A_113 : memref<128xi32, #tpu.memory_space<vmem>>) semaphore(%run_scoped3A_110 : memref<!tpu.dma_semaphore, #tpu.memory_space<semaphore_mem>>) {add = true}
      %dma_wait3A_116 = arith.constant 0 : i32
      %dma_wait3A_117 = tpu.memref_slice %arg7[%run_scoped3A_102, %dma_wait3A_116] : memref<2x128xi32, #tpu.memory_space<vmem>> -> memref<1x128xi32, #tpu.memory_space<vmem>>
      %dma_wait3A_118 = tpu.memref_squeeze %dma_wait3A_117 : memref<1x128xi32, #tpu.memory_space<vmem>> -> memref<128xi32, #tpu.memory_space<vmem>>
      %dma_wait3A_119 = arith.constant 0 : i32
      %dma_wait3A_120 = tpu.memref_slice %arg10[%dma_wait3A_119] : memref<8192xf32, #tpu.memory_space<vmem_shared>> -> memref<8192xf32, #tpu.memory_space<vmem_shared>>
      tpu.wait_indirect_dma semaphore(%run_scoped3A_110 : memref<!tpu.dma_semaphore, #tpu.memory_space<semaphore_mem>>) src(%arg9 : memref<128xf32, #tpu.memory_space<vmem>>) dst(%dma_wait3A_120 : memref<8192xf32, #tpu.memory_space<vmem_shared>>)
      tpu.yield
    }) : () -> ()
    %run_scoped3A_103 = arith.constant 1 : i32
    "tpu.region"() ({
      %run_scoped3A_110 = tpu.sem_alloc : memref<!tpu.dma_semaphore, #tpu.memory_space<semaphore_mem>>
      %dma_start3A_111 = arith.constant 0 : i32
      %dma_start3A_112 = tpu.memref_slice %arg7[%run_scoped3A_103, %dma_start3A_111] : memref<2x128xi32, #tpu.memory_space<vmem>> -> memref<1x128xi32, #tpu.memory_space<vmem>>
      %dma_start3A_113 = tpu.memref_squeeze %dma_start3A_112 : memref<1x128xi32, #tpu.memory_space<vmem>> -> memref<128xi32, #tpu.memory_space<vmem>>
      %dma_start3A_114 = arith.constant 0 : i32
      %dma_start3A_115 = tpu.memref_slice %arg10[%dma_start3A_114] : memref<8192xf32, #tpu.memory_space<vmem_shared>> -> memref<8192xf32, #tpu.memory_space<vmem_shared>>
      tpu.enqueue_indirect_dma source(%arg9 : memref<128xf32, #tpu.memory_space<vmem>>) target(%dma_start3A_115 : memref<8192xf32, #tpu.memory_space<vmem_shared>>) offsets(%dma_start3A_113 : memref<128xi32, #tpu.memory_space<vmem>>) semaphore(%run_scoped3A_110 : memref<!tpu.dma_semaphore, #tpu.memory_space<semaphore_mem>>) {add = true}
      %dma_wait3A_116 = arith.constant 0 : i32
      %dma_wait3A_117 = tpu.memref_slice %arg7[%run_scoped3A_103, %dma_wait3A_116] : memref<2x128xi32, #tpu.memory_space<vmem>> -> memref<1x128xi32, #tpu.memory_space<vmem>>
      %dma_wait3A_118 = tpu.memref_squeeze %dma_wait3A_117 : memref<1x128xi32, #tpu.memory_space<vmem>> -> memref<128xi32, #tpu.memory_space<vmem>>
      %dma_wait3A_119 = arith.constant 0 : i32
      %dma_wait3A_120 = tpu.memref_slice %arg10[%dma_wait3A_119] : memref<8192xf32, #tpu.memory_space<vmem_shared>> -> memref<8192xf32, #tpu.memory_space<vmem_shared>>
      tpu.wait_indirect_dma semaphore(%run_scoped3A_110 : memref<!tpu.dma_semaphore, #tpu.memory_space<semaphore_mem>>) src(%arg9 : memref<128xf32, #tpu.memory_space<vmem>>) dst(%dma_wait3A_120 : memref<8192xf32, #tpu.memory_space<vmem_shared>>)
      tpu.yield
    }) : () -> ()
    %barrier3A_104 = arith.constant 0 : index
    tpu.barrier barrier_id(%barrier3A_104)
    %eq3A_105 = arith.constant 0 : i32
    %eq3A_106 = arith.cmpi eq, %arg1, %eq3A_105 : i32
    %convert_element_type3A_107 = arith.extui %eq3A_106 : i1 to i32
    %cond3A_108 = arith.constant 0 : i32
    %cond3A_109 = arith.cmpi ne, %convert_element_type3A_107, %cond3A_108 : i32
    scf.if %cond3A_109 {
      "tpu.region"() ({
        %run_scoped3A_110 = tpu.sem_alloc : memref<!tpu.dma_semaphore, #tpu.memory_space<semaphore_mem>>
        %dma_start3A_111 = arith.constant 0 : i32
        %dma_start3A_112 = tpu.memref_slice %arg6[%arg0, %dma_start3A_111] : memref<2x8192xf32, #tpu.memory_space<hbm>> -> memref<1x8192xf32, #tpu.memory_space<hbm>>
        %dma_start3A_113 = tpu.memref_squeeze %dma_start3A_112 : memref<1x8192xf32, #tpu.memory_space<hbm>> -> memref<8192xf32, #tpu.memory_space<hbm>>
        tpu.enqueue_dma source(%arg10 : memref<8192xf32, #tpu.memory_space<vmem_shared>>) target(%dma_start3A_113 : memref<8192xf32, #tpu.memory_space<hbm>>) target_semaphore(%run_scoped3A_110 : memref<!tpu.dma_semaphore, #tpu.memory_space<semaphore_mem>>)
        %dma_wait3A_114 = arith.constant 0 : i32
        %dma_wait3A_115 = tpu.memref_slice %arg6[%arg0, %dma_wait3A_114] : memref<2x8192xf32, #tpu.memory_space<hbm>> -> memref<1x8192xf32, #tpu.memory_space<hbm>>
        %dma_wait3A_116 = tpu.memref_squeeze %dma_wait3A_115 : memref<1x8192xf32, #tpu.memory_space<hbm>> -> memref<8192xf32, #tpu.memory_space<hbm>>
        tpu.wait_dma2 semaphore(%run_scoped3A_110 : memref<!tpu.dma_semaphore, #tpu.memory_space<semaphore_mem>>) src(%arg10 : memref<8192xf32, #tpu.memory_space<vmem_shared>>) dst(%dma_wait3A_116 : memref<8192xf32, #tpu.memory_space<hbm>>)
        tpu.yield
      }) : () -> ()
    } else {
    }
    return
  }
}

module attributes {stable_mosaic.version = 14 : i64} {
  func.func @_dist_body(%arg0: i32, %arg1: memref<256x32xf32, #tpu.memory_space<vmem>>, %arg2: memref<8192x32xf32, #tpu.memory_space<vmem>>, %arg3: memref<1x8192xf32, #tpu.memory_space<vmem>>, %arg4: memref<256xi32, #tpu.memory_space<vmem>>, %arg5: memref<1x1xf32, #tpu.memory_space<smem>>) attributes {dimension_semantics = [#tpu.dimension_semantics<arbitrary>], iteration_bounds = array<i64: 32>, scalar_prefetch = 0 : i64, scratch_operands = 0 : i64, tpu.core_type = #tpu.core_type<tc>, window_params = [{transform_indices = @transform_0, window_bounds = array<i64: 256, 32>}, {pipeline_mode = #tpu.pipeline_mode<synchronous>, transform_indices = @transform_1, window_bounds = array<i64: 8192, 32>}, {pipeline_mode = #tpu.pipeline_mode<synchronous>, transform_indices = @transform_2, window_bounds = array<i64: 1, 8192>}, {transform_indices = @transform_3, window_bounds = array<i64: 256>}, {transform_indices = @transform_4, window_bounds = array<i64: 1, 1>}]} {
    %get3A = arith.constant 0 : index
    %get3A_0 = arith.constant 0 : index
    %get3A_1 = vector.load %arg1[%get3A, %get3A_0] : memref<256x32xf32, #tpu.memory_space<vmem>>, vector<256x32xf32>
    %mul3A = arith.mulf %get3A_1, %get3A_1 : vector<256x32xf32>
    %reduce_sum3A = arith.constant dense<0.000000e+00> : vector<256xf32>
    %reduce_sum3A_2 = vector.multi_reduction <add>, %mul3A, %reduce_sum3A [1] : vector<256x32xf32> to vector<256xf32>
    %broadcast_in_dim3A = vector.shape_cast %reduce_sum3A_2 : vector<256xf32> to vector<256x1xf32>
    %get3A_3 = arith.constant 0 : index
    %get3A_4 = arith.constant 0 : index
    %get3A_5 = vector.load %arg2[%get3A_3, %get3A_4] : memref<8192x32xf32, #tpu.memory_space<vmem>>, vector<8192x32xf32>
    %dot_general3A = arith.constant dense<0.000000e+00> : vector<256x8192xf32>
    %dot_general3A_6 = tpu.matmul %get3A_1, %get3A_5, %dot_general3A {dimension_numbers = #tpu.dot_dimension_numbers<[1], [1], [0], [0], [0, 0, 1, 0], [], []>, transpose_lhs_hint = false} : vector<256x32xf32>, vector<8192x32xf32>, vector<256x8192xf32> -> vector<256x8192xf32>
    %get3A_7 = arith.constant 0 : index
    %get3A_8 = arith.constant 0 : index
    %get3A_9 = vector.load %arg3[%get3A_7, %get3A_8] : memref<1x8192xf32, #tpu.memory_space<vmem>>, vector<1x8192xf32>
    %add3A = vector.broadcast %broadcast_in_dim3A : vector<256x1xf32> to vector<256x8192xf32>
    %add3A_10 = vector.broadcast %get3A_9 : vector<1x8192xf32> to vector<256x8192xf32>
    %add3A_11 = arith.addf %add3A, %add3A_10 : vector<256x8192xf32>
    %sub3A = arith.subf %add3A_11, %dot_general3A_6 : vector<256x8192xf32>
    %reduce_min3A = arith.constant dense<0x7F800000> : vector<256xf32>
    %reduce_min3A_12 = vector.multi_reduction <minimumf>, %sub3A, %reduce_min3A [1] : vector<256x8192xf32> to vector<256xf32>
    %broadcast_in_dim3A_13 = vector.shape_cast %reduce_min3A_12 : vector<256xf32> to vector<256x1xf32>
    %iota3A = tpu.iota {dimensions = array<i32: 1>} : vector<256x8192xi32>
    %eq3A = vector.broadcast %broadcast_in_dim3A_13 : vector<256x1xf32> to vector<256x8192xf32>
    %eq3A_14 = arith.cmpf oeq, %sub3A, %eq3A : vector<256x8192xf32>
    %jit3A = arith.constant 8192 : i32
    %broadcast_in_dim3A_15 = vector.broadcast %jit3A : i32 to vector<256x8192xi32>
    %select_n3A = arith.select %eq3A_14, %iota3A, %broadcast_in_dim3A_15 : vector<256x8192xi1>, vector<256x8192xi32>
    %reduce_min3A_16 = arith.constant dense<2147483647> : vector<256xi32>
    %reduce_min3A_17 = vector.multi_reduction <minsi>, %select_n3A, %reduce_min3A_16 [1] : vector<256x8192xi32> to vector<256xi32>
    %swap3A = arith.constant 0 : index
    %swap3A_18 = vector.load %arg4[%swap3A] : memref<256xi32, #tpu.memory_space<vmem>>, vector<256xi32>
    tpu.vector_store %arg4[%swap3A], %reduce_min3A_17 {strides = array<i32>} : memref<256xi32, #tpu.memory_space<vmem>>, vector<256xi32>,
    %eq3A_19 = arith.constant 0 : i32
    %eq3A_20 = arith.cmpi eq, %arg0, %eq3A_19 : i32
    %convert_element_type3A = arith.extui %eq3A_20 : i1 to i32
    %cond3A = arith.constant 0 : i32
    %cond3A_21 = arith.cmpi ne, %convert_element_type3A, %cond3A : i32
    scf.if %cond3A_21 {
      %swap3A_39 = arith.constant 0.000000e+00 : f32
      %swap3A_40 = arith.constant 0 : index
      %swap3A_41 = arith.constant 0 : index
      %swap3A_42 = memref.load %arg5[%swap3A_40, %swap3A_41] : memref<1x1xf32, #tpu.memory_space<smem>>
      memref.store %swap3A_39, %arg5[%swap3A_40, %swap3A_41] : memref<1x1xf32, #tpu.memory_space<smem>>
    } else {
    }
    %get3A_22 = arith.constant 0 : index
    %get3A_23 = arith.constant 0 : index
    %get3A_24 = memref.load %arg5[%get3A_22, %get3A_23] : memref<1x1xf32, #tpu.memory_space<smem>>
    %reduce_sum3A_25 = vector.shape_cast %broadcast_in_dim3A_13 : vector<256x1xf32> to vector<1x256x1xf32>
    %reduce_sum3A_26 = arith.constant dense<0.000000e+00> : vector<1xf32>
    %reduce_sum3A_27 = vector.multi_reduction <add>, %reduce_sum3A_25, %reduce_sum3A_26 [1, 2] : vector<1x256x1xf32> to vector<1xf32>
    %reduce_sum3A_28 = vector.shape_cast %reduce_sum3A_27 : vector<1xf32> to vector<1x1x1xf32>
    %reduce_sum3A_29 = vector.extract %reduce_sum3A_28[0, 0, 0] : f32 from vector<1x1x1xf32>
    %add3A_30 = arith.addf %get3A_24, %reduce_sum3A_29 : f32
    %swap3A_31 = arith.constant 0 : index
    %swap3A_32 = arith.constant 0 : index
    %swap3A_33 = memref.load %arg5[%swap3A_31, %swap3A_32] : memref<1x1xf32, #tpu.memory_space<smem>>
    memref.store %add3A_30, %arg5[%swap3A_31, %swap3A_32] : memref<1x1xf32, #tpu.memory_space<smem>>
    %eq3A_34 = arith.constant 31 : i32
    %eq3A_35 = arith.cmpi eq, %arg0, %eq3A_34 : i32
    %convert_element_type3A_36 = arith.extui %eq3A_35 : i1 to i32
    %cond3A_37 = arith.constant 0 : i32
    %cond3A_38 = arith.cmpi ne, %convert_element_type3A_36, %cond3A_37 : i32
    scf.if %cond3A_38 {
      %get3A_39 = arith.constant 0 : index
      %get3A_40 = arith.constant 0 : index
      %get3A_41 = memref.load %arg5[%get3A_39, %get3A_40] : memref<1x1xf32, #tpu.memory_space<smem>>
      %div3A = arith.constant 2.621440e+05 : f32
      %div3A_42 = arith.divf %get3A_41, %div3A : f32
      %mul3A_43 = arith.constant 1.250000e+00 : f32
      %mul3A_44 = arith.mulf %mul3A_43, %div3A_42 : f32
      %swap3A_45 = arith.constant 0 : index
      %swap3A_46 = arith.constant 0 : index
      %swap3A_47 = memref.load %arg5[%swap3A_45, %swap3A_46] : memref<1x1xf32, #tpu.memory_space<smem>>
      memref.store %mul3A_44, %arg5[%swap3A_45, %swap3A_46] : memref<1x1xf32, #tpu.memory_space<smem>>
    } else {
    }
    return
  }
  func.func @transform_0(%arg0: i32) -> (i32, i32) {
    %c0_i32 = arith.constant 0 : i32
    %c0_i32_0 = arith.constant 0 : i32
    return %arg0, %c0_i32 : i32, i32
  }
  func.func @transform_1(%arg0: i32) -> (i32, i32) {
    %c0_i32 = arith.constant 0 : i32
    %c0_i32_0 = arith.constant 0 : i32
    %c0_i32_1 = arith.constant 0 : i32
    return %c0_i32, %c0_i32_0 : i32, i32
  }
  func.func @transform_2(%arg0: i32) -> (i32, i32) {
    %c0_i32 = arith.constant 0 : i32
    %c0_i32_0 = arith.constant 0 : i32
    %c0_i32_1 = arith.constant 0 : i32
    return %c0_i32, %c0_i32_0 : i32, i32
  }
  func.func @transform_3(%arg0: i32) -> i32 {
    %c0_i32 = arith.constant 0 : i32
    return %arg0 : i32
  }
  func.func @transform_4(%arg0: i32) -> (i32, i32) {
    %c0_i32 = arith.constant 0 : i32
    %c0_i32_0 = arith.constant 0 : i32
    %c0_i32_1 = arith.constant 0 : i32
    return %c0_i32, %c0_i32_0 : i32, i32
  }
}

module attributes {stable_mosaic.version = 14 : i64} {
  func.func @_perp_body(%arg0: memref<2x8192xf32, #tpu.memory_space<vmem>>, %arg1: memref<1x1xf32, #tpu.memory_space<smem>>) attributes {dimension_semantics = [], scalar_prefetch = 0 : i64, scratch_operands = 0 : i64, tpu.core_type = #tpu.core_type<tc>} {
    %get3A = arith.constant 0 : index
    %get3A_0 = arith.constant 0 : index
    %get3A_1 = vector.load %arg0[%get3A, %get3A_0] : memref<2x8192xf32, #tpu.memory_space<vmem>>, vector<1x8192xf32>
    %get3A_2 = vector.shape_cast %get3A_1 : vector<1x8192xf32> to vector<8192xf32>
    %get3A_3 = arith.constant 1 : index
    %get3A_4 = arith.constant 0 : index
    %get3A_5 = vector.load %arg0[%get3A_3, %get3A_4] : memref<2x8192xf32, #tpu.memory_space<vmem>>, vector<1x8192xf32>
    %get3A_6 = vector.shape_cast %get3A_5 : vector<1x8192xf32> to vector<8192xf32>
    %add3A = arith.addf %get3A_2, %get3A_6 : vector<8192xf32>
    %mul3A = arith.constant 1.22070313E-4 : f32
    %mul3A_7 = vector.broadcast %mul3A : f32 to vector<8192xf32>
    %mul3A_8 = arith.mulf %add3A, %mul3A_7 : vector<8192xf32>
    %add3A_9 = arith.constant 1.000000e-10 : f32
    %add3A_10 = vector.broadcast %add3A_9 : f32 to vector<8192xf32>
    %add3A_11 = arith.addf %mul3A_8, %add3A_10 : vector<8192xf32>
    %log3A = math.log %add3A_11 : vector<8192xf32>
    %mul3A_12 = arith.mulf %mul3A_8, %log3A : vector<8192xf32>
    %reduce_sum3A = vector.shape_cast %mul3A_12 : vector<8192xf32> to vector<1x8192xf32>
    %reduce_sum3A_13 = arith.constant dense<0.000000e+00> : vector<1xf32>
    %reduce_sum3A_14 = vector.multi_reduction <add>, %reduce_sum3A, %reduce_sum3A_13 [1] : vector<1x8192xf32> to vector<1xf32>
    %reduce_sum3A_15 = vector.shape_cast %reduce_sum3A_14 : vector<1xf32> to vector<1x1xf32>
    %reduce_sum3A_16 = vector.extract %reduce_sum3A_15[0, 0] : f32 from vector<1x1xf32>
    %neg3A = arith.constant 0.000000e+00 : f32
    %neg3A_17 = arith.subf %neg3A, %reduce_sum3A_16 : f32
    %exp3A = math.exp %neg3A_17 : f32
    %swap3A = arith.constant 0 : index
    %swap3A_18 = arith.constant 0 : index
    %swap3A_19 = memref.load %arg1[%swap3A, %swap3A_18] : memref<1x1xf32, #tpu.memory_space<smem>>
    memref.store %exp3A, %arg1[%swap3A, %swap3A_18] : memref<1x1xf32, #tpu.memory_space<smem>>
    return
  }
}

</mosaic_0001>

<sc_bundles>
// kernel: kernel.5.cloned.1.call-start
scs
__scs_entry_jumppad:
0x0: {  	(pc) =	sbr.rel $0x88, $3  }
0x1: {  	(tag) =	ssettag $0x0;
	lr =	simm.s32 $0x1  }
0x2: {  	[smem:$0x3F9F] =	sst lr;
	_ =	strace $0xD0000000  }
0x3: {  	_ = 	snop  }
0x4: {  	_ = 	snop  }
0x5: {  	_ = 	snop  }
0x6: {  	_ = 	snop  }
0x7: {  	_ = 	snop  }
__scs_overlays_trampoline_lowered:
0x8: {  	[smem:$0x3FAE] =	sst s0  }
0x9: {  	[smem:$0x3FAF] =	sst s1  }
0xa: {  	[smem:$0x3FB0] =	sst s2  }
0xb: {  	[smem:$0x3FB1] =	sst s3  }
0xc: {  	[smem:$0x3FB2] =	sst s4  }
0xd: {  	[smem:$0x3FB3] =	sst s5  }
0xe: {  	[smem:$0x3FB4] =	sst s6  }
0xf: {  	[smem:$0x3FB5] =	sst s7  }
0x10: {  	[smem:$0x3FB6] =	sst s8  }
0x11: {  	[smem:$0x3FB7] =	sst s9;
	s0 =	simm.s32 @!p0 $0x0  }
0x12: {  	s1 =	sld [smem:$0x3F9D];
	s0 =	simm.s32 @p0 $0x1  }
0x13: {  	[smem:$0x3FB8] =	sst s0;
	s0 =	simm.s32 @!p1 $0x0  }
0x14: {  	s2 =	sld [smem:$0x3F9C];
	s0 =	simm.s32 @p1 $0x1  }
0x15: {  	[smem:$0x3FB9] =	sst s0;
	s0 =	simm.s32 @!p2 $0x0  }
0x16: {  	s3 =	sld [smem:$0x3FDB];
	s0 =	simm.s32 @p2 $0x1  }
0x17: {  	s4 =	simm.s32 $0x1BF5;
	[smem:$0x3FBB] =	sst s0  }
0x18: {  	s0 =	sld [smem:$0x3F9E];
	_ =	swait.ge [sflag:s4], $0x0  }
0x19: {  	s7 =	sld [smem:$0x3F9F]  }
0x1a: {  	s8 =	sadd.s32 $0xFFFFE003, lr  }
0x1b: {  	s9 =	sadd.s32 $0xFFFFFEF7, lr;
	s5 =	simm.s32 $0xFFFFFFFF;
	p2 =	slt.u32 s8, $0xFFFFF086  }
0x1c: {  	p1 =	slt.u32 s9, $0xF7A;
	s5 =	simm.s32 @!p2 $0x0  }
0x1d: {  	s5 =	simm.s32 @p1 $0x1;
	p0 =	seq.s32 s7, s2  }
0x1e: {  	s7 =	smul.u32 @!p0 $0xF7A, s2;
	p2 =	seq.s32 @!p0 s5, $0x0  }
0x1f: {  	s9 =	smul.u32 $0xF7A, s1;
	s8 =	simm.s32 @!p0 $0x1BF5;
	p2 =	por !p2, p0  }
0x20: {  	[sflag:s8] =	ssyncset.s32 @!p0 $0xFFFFF086;
	s6 =	sadd.s32 @!p0 s3, s7;
	s7 =	simm.s32 @!p0 $0x108  }
0x21: {  	s3 =	sadd.s32 s3, s9;
	s6 =	sadd.s32 @!p0 $0x88, s6;
	s7 =	simm.s32 @p2 $0x1082  }
0x22: {  	[simem:s7], [sflag:s8] =	dma.local @!p0 [hbm:s6], $0xF7A  }
0x23: {  	s9 =	sor.u32 $0xD0000000, s2;
	s6 =	simm.s32 $0x108;
	_ =	swait.ge @!p0 [sflag:s8], $0x0  }
0x24: {  	s3 =	sadd.s32 $0x88, s3;
	s6 =	simm.s32 @!p1 $0x1082;
	[sflag:s4] =	ssyncset.s32 $0xFFFFF086  }
0x25: {  	[simem:s6], [sflag:s4] =	dma.local [hbm:s3], $0xF7A  }
0x26: {  	[smem:$0x3F9F] =	sst s1;
	(tag) =	ssettag s2;
	_ =	strace s9  }
0x27: {  	s1 =	sld [smem:$0x3FAF]  }
0x28: {  	s2 =	sld [smem:$0x3FB0]  }
0x29: {  	s4 =	sld [smem:$0x3FB2]  }
0x2a: {  	p0 =	seq.s32 s5, $0x0;
	s5 =	sld [smem:$0x3FB3]  }
0x2b: {  	s6 =	sld [smem:$0x3FB4]  }
0x2c: {  	s7 =	sld [smem:$0x3FB5]  }
0x2d: {  	s3 =	simm.s32 $0x108;
	s8 =	sld [smem:$0x3FB6]  }
0x2e: {  	s3 =	simm.s32 @!p0 $0x1082;
	s9 =	sld [smem:$0x3FB7]  }
0x2f: {  	lr =	sadd.s32 s0, s3;
	s0 =	sld [smem:$0x3FAE]  }
0x30: {  	s3 =	sld [smem:$0x3FB1]  }
0x31: {  	[smem:$0x3FBA] =	sst s10  }
0x32: {  	s10 =	sld [smem:$0x3FB8];
	_ =	sdelay $0x3  }
0x33: {  	p0 =	seq.s32 s10, $0x1;
	s10 =	sld [smem:$0x3FBA];
	_ =	sdelay $0x3  }
0x34: {  	[smem:$0x3FBA] =	sst s10  }
0x35: {  	s10 =	sld [smem:$0x3FB9];
	_ =	sdelay $0x3  }
0x36: {  	p1 =	seq.s32 s10, $0x1;
	s10 =	sld [smem:$0x3FBA];
	_ =	sdelay $0x3  }
0x37: {  	[smem:$0x3FBA] =	sst s10  }
0x38: {  	s10 =	sld [smem:$0x3FBB]  }
0x39: {  	_ = 	snop;
	(pc) =	sbr.ind lr, $3  }
0x3a: {  	_ = 	snop  }
0x3b: {  	_ = 	snop  }
0x3c: {  	p2 =	seq.s32 s10, $0x1;
	s10 =	sld [smem:$0x3FBA]  }
0x3d: {  	_ =	shalt  }
0x3e: {  	_ =	shalt  }
0x3f: {  	_ =	shalt  }
0x40: {  	_ =	shalt  }
0x41: {  	_ =	shalt  }
0x42: {  	_ =	shalt  }
0x43: {  	_ =	shalt  }
0x44: {  	_ =	shalt  }
0x45: {  	_ =	shalt  }
0x46: {  	_ =	shalt  }
0x47: {  	_ =	shalt  }
0x48: {  	_ =	shalt  }
0x49: {  	_ =	shalt  }
0x4a: {  	_ =	shalt  }
0x4b: {  	_ =	shalt  }
0x4c: {  	_ =	shalt  }
0x4d: {  	_ =	shalt  }
0x4e: {  	_ =	shalt  }
0x4f: {  	_ =	shalt  }
0x50: {  	_ =	shalt  }
0x51: {  	_ =	shalt  }
0x52: {  	_ =	shalt  }
0x53: {  	_ =	shalt  }
0x54: {  	_ =	shalt  }
0x55: {  	_ =	shalt  }
0x56: {  	_ =	shalt  }
0x57: {  	_ =	shalt  }
0x58: {  	_ =	shalt  }
0x59: {  	_ =	shalt  }
0x5a: {  	_ =	shalt  }
0x5b: {  	_ =	shalt  }
0x5c: {  	_ =	shalt  }
0x5d: {  	_ =	shalt  }
0x5e: {  	_ =	shalt  }
0x5f: {  	_ =	shalt  }
0x60: {  	_ =	shalt  }
0x61: {  	_ =	shalt  }
0x62: {  	_ =	shalt  }
0x63: {  	_ =	shalt  }
0x64: {  	_ =	shalt  }
0x65: {  	_ =	shalt  }
0x66: {  	_ =	shalt  }
0x67: {  	_ =	shalt  }
0x68: {  	_ =	shalt  }
0x69: {  	_ =	shalt  }
0x6a: {  	_ =	shalt  }
0x6b: {  	_ =	shalt  }
0x6c: {  	_ =	shalt  }
0x6d: {  	_ =	shalt  }
0x6e: {  	_ =	shalt  }
0x6f: {  	_ =	shalt  }
0x70: {  	_ =	shalt  }
0x71: {  	_ =	shalt  }
0x72: {  	_ =	shalt  }
0x73: {  	_ =	shalt  }
0x74: {  	_ =	shalt  }
0x75: {  	_ =	shalt  }
0x76: {  	_ =	shalt  }
0x77: {  	_ =	shalt  }
0x78: {  	_ =	shalt  }
0x79: {  	_ =	shalt  }
0x7a: {  	_ =	shalt  }
0x7b: {  	_ =	shalt  }
0x7c: {  	_ =	shalt  }
0x7d: {  	_ =	shalt  }
0x7e: {  	_ =	shalt  }
0x7f: {  	_ =	shalt  }
0x80: {  	_ =	shalt  }
0x81: {  	_ =	shalt  }
0x82: {  	_ =	shalt  }
0x83: {  	_ =	shalt  }
0x84: {  	_ =	shalt  }
0x85: {  	_ =	shalt  }
0x86: {  	_ =	shalt  }
0x87: {  	_ =	shalt  }
.Lfunc_end0:
.L_simem_size_0:
called_computation_lowered:
.L_overlay_start_0:
0x88: {  	s2 =	sld [smem:$0x3FD9]  }
0x89: {  	s3 =	sld [smem:$0x3FFE];
	_ =	sdelay $0x1  }
0x8a: {  	s1 =	srdreg.scid  }
0x8b: {  	s0 =	sand.u32 $0x1, s1  }
0x8c: {  	s14 =	sshll.u32 s0, $0xA;
	s2 =	sadd.s32 s3, s2  }
0x8d: {  	s2 =	sadd.s32 s2, s14  }
0x8e: {  	[smem:$0x3FC6] =	sst s2  }
0x8f: {  	_ = 	snop  }
0x90: {  	s2 =	sld [smem:$0x3FD0];
	_ =	sdelay $0x2  }
0x91: {  	s15 =	simm.s32 $0xA;
	s4 =	simm.s32 $0x10  }
0x92: {  	[smem:s4], [sflag:s15] =	dma.local [hbm:s2], $0x1  }
0x93: {  	_ =	swait.eq [sflag:s15], $0x1  }
0x94: {  	[sflag:s15] =	ssyncset.done $0x0  }
0x95: {  	[sflag:s15] =	ssyncadd.s32 $0xFFFFFFFF  }
0x96: {  	s16 =	sld [smem:$0x11];
	(tm) =	ssettm $0x1  }
0x97: {  	s17 =	sld [smem:$0x3FFB];
	_ =	sdelay $0x3  }
0x98: {  	_ =	strace s17  }
0x99: {  	s3 =	sld [smem:$0x3FFC];
	_ =	sdelay $0x3  }
0x9a: {  	_ =	strace s3  }
0x9b: {  	s3 =	sld [smem:$0x3FFD];
	_ =	sdelay $0x3  }
0x9c: {  	_ =	strace s3  }
0x9d: {  	_ =	strace $0x8FFFFFFF  }
0x9e: {  	s18 =	sld [smem:$0x3FDB];
	_ =	sdelay $0x1  }
0x9f: {  	s19 =	simm.s32 $_scs_section_size  }
0xa0: {  	s5 =	simm.s32 $_size__tile_overlayer_lowered;
	s6 =	simm.s32 $_tile_overlayer_lowered  }
0xa1: {  	s22 =	simm.s32 $0x1BFF;
	s21 =	sshll.u32 s6, $0x1;
	s3 =	sadd.s32 s19, s18  }
0xa2: {  	s7 =	simm.s32 $0x0;
	s20 =	sshll.u32 s5, $0x1;
	s5 =	sadd.s32 s21, s3  }
0xa3: {  	[timem:s7], [sflag:s22] =	dma.local [hbm:s5], s20  }
0xa4: {  	_ =	swait.ge [sflag:s22], s20  }
0xa5: {  	s4 =	ssub.s32 $0x0, s20;
	[sflag:s22] =	ssyncset.done $0x0  }
0xa6: {  	[sflag:s22] =	ssyncadd.s32 s4;
	_ =	sdelay $0x1  }
0xa7: {  	s23 =	simm.s32 $0x1B8B  }
0xa8: {  	_ =	swait.ge [sflag:s23], $0x1  }
0xa9: {  	[sflag:s23] =	ssyncset.done $0x0  }
0xaa: {  	s25 =	simm.s32 $0x1B8E;
	s24 =	sld [smem:$0x3FFE];
	[sflag:s23] =	ssyncadd.s32 $0xFFFFFFFF  }
0xab: {  	s26 =	simm.s32 $execute0_lowered;
	[smem:$0x3FD2] =	sst s25  }
0xac: {  	s5 =	sshll.u32 s26, $0x1;
	_ =	strace $0x80000046;
	[dreg:$0x1] =	wrdreg $0xFFFFFFFF  }
0xad: {  	s28 =	simm.s32 $_size_execute0_lowered;
	s3 =	sadd.s32 s3, s5;
	[dreg:$0x0] =	wrdreg $0x0  }
0xae: {  	s5 =	sshll.u32 s28, $0x1;
	[dreg:$0x2] =	wrdreg s3  }
0xaf: {  	[dreg:$0x3] =	wrdreg s5  }
0xb0: {  	[dreg:$0x4] =	wrdreg $0xC0  }
0xb1: {  	_ =	task [dreg:s7], $0x5FFFF  }
0xb2: {  	[dreg:$0x1] =	wrdreg $0xFFFFFFFF  }
0xb3: {  	[dreg:$0x0] =	wrdreg $0x60  }
0xb4: {  	[dreg:$0x2] =	wrdreg s24  }
0xb5: {  	[dreg:$0x3] =	wrdreg s16  }
0xb6: {  	[dreg:$0x4] =	wrdreg $0x21800  }
0xb7: {  	[dreg:$0x5] =	wrdreg $0x9  }
0xb8: {  	_ =	task.clear_ibuf [dreg:s7], $0x6FFFF;
	_ =	strace $0x90000046  }
0xb9: {  	s29 =	simm.s32 $0x9;
	_ =	strace $0x80000048  }
0xba: {  	_ =	swait.ge [sflag:s29], $0x1  }
0xbb: {  	[sflag:s29] =	ssyncadd.s32 $0xFFFFFFFF  }
0xbc: {  	_ =	strace $0x90000048  }
0xbd: {  	_ =	sfence  }
0xbe: {  	s30 =	sld [smem:$0x0];
	_ =	sdelay $0x2  }
0xbf: {  	s31 =	sshll.u32 s1, $0xD;
	s1 =	sshrl.u32 s1, $0x2  }
0xc0: {  	s3 =	sand.u32 $0x4000, s31;
	s1 =	sadd.s32 s1, s30  }
0xc1: {  	s0 =	sor.u32 s3, s0;
	s1 =	sshll.u32 s1, $0x11  }
0xc2: {  	s0 =	sor.u32 s1, s0  }
0xc3: {  	s0 =	sadd.s32 $0x8F2B, s0  }
0xc4: {  	[sflag:s0] =	ssyncadd.remote.s32 $0x1  }
0xc5: {  	_ =	sfence.sel $0xFFFF  }
0xc6: {  	[dreg:$0x0] =	wrdreg $0xFFFFFFFF;
	(pc) =	sbr.abs _section_cstart, $3  }
0xc7: {  	[dreg:$0x1] =	wrdreg $0xFFFFFFFF  }
0xc8: {  	_ =	task.clear_ibuf [dreg:s7], $0x2FFFF;
	_ =	strace $0x9FFFFFFF  }
0xc9: {  	(tm) =	ssettm $0x7FFFFFFF  }
tec
execute0_lowered:
.L_overlay_start_1:
0x0: {  	(tag) =	ssettag $0x1  }
0x1: {  	s0 =	srdreg.scid  }
0x2: {  	s17 =	rddreg [dreg:$0x0];
	s6 =	stileid.u32;
	s18 =	sand.u32 $0x1, s0  }
0x3: {  	s1 =	rddreg [dreg:$0x1];
	s30 =	sshll.u32 s6, $0x9;
	s3 =	sshll.u32 s18, $0x8  }
0x4: {  	s2 =	rddreg [dreg:$0x2];
	s13 =	sor.u32 s3, s30  }
0x5: {  	s4 =	simm.s32 $0x0;
	s0 =	rddreg [dreg:$0x3];
	s3 =	sshrl.u32 s13, $0x3  }
0x6: {  	[smem:$0x7FF] =	sst s4;
	s3 =	sadd.s32 s3, s17  }
0x7: {  	_ =	strace $0x80000047;
	s5 =	sadd.s32 $0xE00, s3;
	s3 =	simm.s32 $0x2  }
0x8: {  	[tilespmem:s4], [sflag:$0x2] =	stream.linear.gather [hbm4b:s5+s4], $0x100, $0x38;
	[tilespmem:$0x2380] =	vst v63  }
0x9: {  	_ =	swait.ge [sflag:s3], $0x100  }
0xa: {  	[sflag:s3] =	ssyncset.done $0x0  }
0xb: {  	v0 =	vimm.f32 $1.000000000e+00;
	[sflag:s3] =	ssyncadd.s32 $0xFFFFFF00  }
0xc: {  	[tilespmem:$0x2170] =	vst v0  }
0xd: {  	[tilespmem:$0x2160] =	vst v0  }
0xe: {  	[tilespmem:$0x2150] =	vst v0  }
0xf: {  	[tilespmem:$0x2140] =	vst v0  }
0x10: {  	[tilespmem:$0x2130] =	vst v0  }
0x11: {  	[tilespmem:$0x2120] =	vst v0  }
0x12: {  	s9 =	sadd.s32 $0x1200, s17;
	p0 =	sne.s32 s6, $0x0;
	[tilespmem:$0x2100] =	vst v0  }
0x13: {  	s6 =	sshrl.u32 @!p0 s2, $0x3;
	s8 =	simm.s32 @!p0 $0x1C02;
	s7 =	simm.s32 @!p0 $0x2;
	[tilespmem:$0x2110] =	vst v0  }
0x14: {  	[spmem:s6], [sflag:s8] =	dma.local @!p0 [hbm:s9], $0x400  }
0x15: {  	_ =	swait.ge @!p0 [sflag:s7], $0x400  }
0x16: {  	s10 =	simm.s32 $0x80;
	[sflag:s7] =	ssyncset.done @!p0 $0x0  }
0x17: {  	s11 =	simm.s32 $0x100;
	s12 =	simm.s32 $0x1;
	[sflag:s7] =	ssyncadd.s32 @!p0 $0xFFFFFC00  }
0x18: {  	[tilespmem:s11], [sflag:$0x1] =	stream.indirect.gather [hbm4b:s1+s10], $0x20, s4, s10, $0xb8;
	[tilespmem:$0x2380] =	vst v63  }
0x19: {  	s13 =	sshll.u32 s13, $0x2;
	_ =	swait.ge [sflag:s12], $0x1000  }
0x1a: {  	s15 =	sadd.s32 s13, s17;
	[sflag:s12] =	ssyncset.done $0x0  }
0x1b: {  	s13 =	sadd.s32 $0x1600, s15;
	[sflag:s12] =	ssyncadd.s32 $0xFFFFF000  }
0x1c: {  	[hbm4b:s13+s4] =	stream.linear.scatter [tilespmem:s11], [sflag:$0x2], $0x1000, $0x38;
	[tilespmem:$0x2380] =	vst v63  }
0x1d: {  	_ =	swait.ge [sflag:s3], $0x1000  }
0x1e: {  	[sflag:s3] =	ssyncset.done $0x0  }
0x1f: {  	s14 =	simm.s32 $0x1100;
	[sflag:s3] =	ssyncadd.s32 $0xFFFFF000  }
0x20: {  	[tilespmem:s14], [sflag:$0x1] =	stream.indirect.gather [hbm4b:s1+s10], $0x20, s10, s10, $0xb8;
	[tilespmem:$0x2380] =	vst v63  }
0x21: {  	_ =	swait.ge [sflag:s12], $0x1000  }
0x22: {  	s19 =	ssub.s32 $0x2, s18;
	[sflag:s12] =	ssyncset.done $0x0  }
0x23: {  	s20 =	sshrl.u32 s19, $0x1;
	s15 =	sadd.s32 $0x1800, s15;
	[sflag:s12] =	ssyncadd.s32 $0xFFFFF000  }
0x24: {  	[hbm4b:s15+s4] =	stream.linear.scatter [tilespmem:s14], [sflag:$0x2], $0x1000, $0x38;
	[tilespmem:$0x2380] =	vst v63  }
0x25: {  	s19 =	ssub.s32 s19, s20;
	_ =	swait.ge [sflag:s3], $0x1000  }
0x26: {  	s19 =	smax.u32 s19, $0x1;
	[sflag:s3] =	ssyncset.done $0x0  }
0x27: {  	s31 =	sshll.u32 s18, $0xA;
	s18 =	sadd.s32 $0xFFFFFFFF, s19;
	[sflag:s3] =	ssyncadd.s32 $0xFFFFF000  }
0x28: {  	s16 =	simm.s32 $0x2100;
	p1 =	sne.s32 s18, $0x0;
	[bflag:$0x0] =	sbarrier.arrive $0xFFFF  }
0x29: {  	[spmem:s2] =	stream.indirect.scatter.add.f32 [tilespmem:s16], [sflag:$0x2], $0x1, s4, s10, $0xb8;
	[tilespmem:$0x2380] =	vst v63  }
.Ltmp0:
0x2a: {  	_ = 	snop;
	(pc) =	sbr.rel @!p1 .LBB2_2-.Ltmp0, $4  }
0x2b: {  	_ =	swait.ge [sflag:s3], $0x80  }
0x2c: {  	s17 =	sadd.s32 s31, s17;
	[sflag:s3] =	ssyncset.done $0x0  }
0x2d: {  	s17 =	sadd.s32 $0x9600, s17;
	[sflag:s3] =	ssyncadd.s32 $0xFFFFFF80  }
0x2e: {  	[spmem:s2] =	stream.indirect.scatter.add.f32 [tilespmem:s16], [sflag:$0x2], $0x1, s10, s10, $0xb8;
	[tilespmem:$0x2380] =	vst v63  }
.LBB2_1:
0x2f: {  	s18 =	sadd.s32 $0xFFFFFFFF, s18;
	_ =	swait.ge [sflag:s3], $0x80  }
0x30: {  	p1 =	sne.s32 s18, $0x0;
	[sflag:s3] =	ssyncset.done $0x0  }
0x31: {  	[sflag:s3] =	ssyncadd.s32 $0xFFFFFF80  }
0x32: {  	[bflag:$0x0] =	sbarrier.arrive $0xFFFF  }
0x33: {  	[hbm:s17], [sflag:s8] =	dma.local @!p0 [spmem:s6], $0x400  }
0x34: {  	_ =	swait.ge @!p0 [sflag:s7], $0x400  }
0x35: {  	[sflag:s7] =	ssyncset.done @!p0 $0x0  }
0x36: {  	[sflag:s7] =	ssyncadd.s32 @!p0 $0xFFFFFC00  }
0x37: {  	[tilespmem:s4], [sflag:$0x2] =	stream.linear.gather [hbm4b:s5+s4], $0x100, $0x38;
	[tilespmem:$0x2380] =	vst v63  }
0x38: {  	_ =	swait.ge [sflag:s3], $0x100  }
0x39: {  	[sflag:s3] =	ssyncset.done $0x0  }
0x3a: {  	[sflag:s3] =	ssyncadd.s32 $0xFFFFFF00  }
0x3b: {  	[tilespmem:$0x2170] =	vst v0  }
0x3c: {  	[tilespmem:$0x2160] =	vst v0  }
0x3d: {  	[tilespmem:$0x2150] =	vst v0  }
0x3e: {  	[tilespmem:$0x2140] =	vst v0  }
0x3f: {  	[tilespmem:$0x2130] =	vst v0  }
0x40: {  	[tilespmem:$0x2120] =	vst v0  }
0x41: {  	[tilespmem:$0x2100] =	vst v0  }
0x42: {  	[tilespmem:$0x2110] =	vst v0  }
0x43: {  	[spmem:s6], [sflag:s8] =	dma.local @!p0 [hbm:s9], $0x400  }
0x44: {  	_ =	swait.ge @!p0 [sflag:s7], $0x400  }
0x45: {  	[sflag:s7] =	ssyncset.done @!p0 $0x0  }
0x46: {  	[sflag:s7] =	ssyncadd.s32 @!p0 $0xFFFFFC00  }
0x47: {  	[tilespmem:s11], [sflag:$0x1] =	stream.indirect.gather [hbm4b:s1+s10], $0x20, s4, s10, $0xb8;
	[tilespmem:$0x2380] =	vst v63  }
0x48: {  	_ =	swait.ge [sflag:s12], $0x1000  }
0x49: {  	[sflag:s12] =	ssyncset.done $0x0  }
0x4a: {  	[sflag:s12] =	ssyncadd.s32 $0xFFFFF000  }
0x4b: {  	[hbm4b:s13+s4] =	stream.linear.scatter [tilespmem:s11], [sflag:$0x2], $0x1000, $0x38;
	[tilespmem:$0x2380] =	vst v63  }
0x4c: {  	_ =	swait.ge [sflag:s3], $0x1000  }
0x4d: {  	[sflag:s3] =	ssyncset.done $0x0  }
0x4e: {  	[sflag:s3] =	ssyncadd.s32 $0xFFFFF000  }
0x4f: {  	[tilespmem:s14], [sflag:$0x1] =	stream.indirect.gather [hbm4b:s1+s10], $0x20, s10, s10, $0xb8;
	[tilespmem:$0x2380] =	vst v63  }
0x50: {  	_ =	swait.ge [sflag:s12], $0x1000  }
0x51: {  	[sflag:s12] =	ssyncset.done $0x0  }
0x52: {  	[sflag:s12] =	ssyncadd.s32 $0xFFFFF000  }
0x53: {  	[hbm4b:s15+s4] =	stream.linear.scatter [tilespmem:s14], [sflag:$0x2], $0x1000, $0x38;
	[tilespmem:$0x2380] =	vst v63  }
0x54: {  	_ =	swait.ge [sflag:s3], $0x1000  }
0x55: {  	[sflag:s3] =	ssyncset.done $0x0  }
0x56: {  	[sflag:s3] =	ssyncadd.s32 $0xFFFFF000  }
0x57: {  	[bflag:$0x0] =	sbarrier.arrive $0xFFFF  }
0x58: {  	[spmem:s2] =	stream.indirect.scatter.add.f32 [tilespmem:s16], [sflag:$0x2], $0x1, s4, s10, $0xb8;
	[tilespmem:$0x2380] =	vst v63  }
.Ltmp1:
0x59: {  	_ = 	snop;
	(pc) =	sbr.rel @p1 .LBB2_1-.Ltmp1, $4  }
0x5a: {  	_ =	swait.ge [sflag:s3], $0x80  }
0x5b: {  	[sflag:s3] =	ssyncset.done $0x0  }
0x5c: {  	[sflag:s3] =	ssyncadd.s32 $0xFFFFFF80  }
0x5d: {  	[spmem:s2] =	stream.indirect.scatter.add.f32 [tilespmem:s16], [sflag:$0x2], $0x1, s10, s10, $0xb8;
	[tilespmem:$0x2380] =	vst v63  }
.LBB2_2:
0x5e: {  	_ =	swait.ge [sflag:s3], $0x80  }
0x5f: {  	[sflag:s3] =	ssyncset.done $0x0  }
0x60: {  	[sflag:s3] =	ssyncadd.s32 $0xFFFFFF80  }
0x61: {  	[bflag:$0x0] =	sbarrier.arrive $0xFFFF  }
0x62: {  	[hbm:s17], [sflag:s8] =	dma.local @!p0 [spmem:s6], $0x400  }
0x63: {  	_ =	swait.ge @!p0 [sflag:s7], $0x400  }
0x64: {  	[sflag:s7] =	ssyncset.done @!p0 $0x0  }
0x65: {  	[sflag:s7] =	ssyncadd.s32 @!p0 $0xFFFFFC00  }
0x66: {  	_ =	sfence.sel $0x180000  }
0x67: {  	[bflag:$0x0] =	sbarrier.arrive $0xFFFF  }
0x68: {  	_ =	strace $0x90000047  }
0x69: {  	s0 =	sadd.s32 @!p0 $0x100000, s0;
	[bflag:$0x2] =	sbarrier.arrive $0xFFFF  }
0x6a: {  	[sflag:s0] =	ssyncadd.tile.s32 @!p0 $0x1;
	_ =	shalt  }
.Lfunc_end2:
_tile_overlayer_lowered:
.L_overlay_start_2:
0x6b: {  	(tag) =	ssettag $0x2  }
0x6c: {  	s0 =	rddreg [dreg:$0x0];
	s2 =	stileid.u32  }
0x6d: {  	s1 =	rddreg [dreg:$0x1];
	p0 =	sne.s32 s2, $0x0  }
0x6e: {  	s3 =	rddreg [dreg:$0x2];
	[bflag:$0x3] =	sbarrier.arrive $0xFFFF;
	s2 =	simm.s32 @!p0 $0x1C02  }
0x6f: {  	[timem:s3], [sflag:s2] =	dma.local @!p0 [hbm:s0], s1  }
0x70: {  	s0 =	simm.s32 @!p0 $0x2  }
0x71: {  	_ =	swait.ge @!p0 [sflag:s0], s1  }
0x72: {  	s1 =	ssub.s32 @!p0 $0x0, s1;
	[sflag:s0] =	ssyncset.done @!p0 $0x0  }
0x73: {  	[sflag:s0] =	ssyncadd.s32 @!p0 s1  }
0x74: {  	[bflag:$0x3] =	sbarrier.arrive $0xFFFF  }
0x75: {  	_ =	shalt  }

</sc_bundles>
